<compile_context>
chip_gen: v7x
topology: tpu7x:2x2x1
jax: 0.10.2.dev20260603
libtpu: 0.0.44.dev20260713+nightly
codegen_flags: <defaults>
</compile_context>

<pallas_src>
import jax
import jax.numpy as jnp
from jax import lax
from jax.experimental import pallas as pl
from jax.experimental.pallas import tpu as pltpu, tpu_sc as plsc

N_CLASSES = 1000
ROWS = 4096 * 20
NC = 2
NS = 16
NW = NC * NS
ROWS_PER_W = ROWS // NW
CHUNK = 64
NCHUNK = ROWS_PER_W // CHUNK
BUF_WORDS = CHUNK * N_CLASSES


def _body(idx_hbm, out_hbm, idx_v, buf_v):
    wid = lax.axis_index("s") * NC + lax.axis_index("c")
    base_row = wid * ROWS_PER_W

    pltpu.sync_copy(idx_hbm.at[pl.ds(base_row, ROWS_PER_W)], idx_v)

    zeros16 = jnp.zeros((16,), jnp.float32)
    ones16 = jnp.ones((16,), jnp.float32)
    iota16 = lax.broadcasted_iota(jnp.int32, (16,), 0)

    def zero_body(i, carry):
        buf_v[pl.ds(i * 16, 16)] = zeros16
        return carry

    lax.fori_loop(0, BUF_WORDS // 16, zero_body, 0)

    def chunk_body(c, carry):
        for j in range(CHUNK // 16):
            col = idx_v[pl.ds(c * CHUNK + j * 16, 16)]
            flat = (iota16 + j * 16) * N_CLASSES + col
            plsc.store_scatter(buf_v, [flat], ones16)
        pltpu.sync_copy(
            buf_v,
            out_hbm.at[pl.ds((base_row + c * CHUNK) * N_CLASSES, BUF_WORDS)],
        )
        for j in range(CHUNK // 16):
            col = idx_v[pl.ds(c * CHUNK + j * 16, 16)]
            flat = (iota16 + j * 16) * N_CLASSES + col
            plsc.store_scatter(buf_v, [flat], zeros16)
        return carry

    lax.fori_loop(0, NCHUNK, chunk_body, 0)


@jax.jit
def _onehot(idx_flat):
    f = pl.kernel(
        _body,
        mesh=plsc.VectorSubcoreMesh(core_axis_name="c", subcore_axis_name="s"),
        out_type=jax.ShapeDtypeStruct((ROWS * N_CLASSES,), jnp.float32),
        scratch_types=[
            pltpu.VMEM((ROWS_PER_W,), jnp.int32),
            pltpu.VMEM((BUF_WORDS,), jnp.float32),
        ],
        compiler_params=pltpu.CompilerParams(needs_layout_passes=False),
    )
    return f(idx_flat)


def kernel(inputs, onehot_map):
    del onehot_map
    idx_flat = inputs.reshape(-1).astype(jnp.int32)
    out = _onehot(idx_flat)
    return out.reshape(inputs.shape + (N_CLASSES,))

# --- scband reference (transcript-rebuilt; emitter-appended) ---
"""Pipeline reference for scband-onehot-encoder-35905926595221 (READ-ONLY COPY).

The authoritative reference and input builder live on the scoring server;
editing this copy changes nothing except your own understanding.
"""

import jax, jax.numpy as jnp
import numpy as np

NUM_CLASSES = 1000

def setup_inputs(seed: int = 0) -> dict:
    key = jax.random.key(seed)
    k1, _ = jax.random.split(key)
    inputs = jax.random.randint(k1, (4096, 20), 0, NUM_CLASSES, dtype=jnp.int64 if jax.config.jax_enable_x64 else jnp.int32)
    onehot_map = jnp.eye(NUM_CLASSES, dtype=jnp.float32)
    return {"inputs": inputs, "onehot_map": onehot_map}

def reference(inputs, onehot_map):
    # Faithful translation of OnehotEncoder.forward: row-gather from identity matrix
    return jnp.take(onehot_map, inputs, axis=0)

if __name__ == "__main__":
    import jax
    _d = setup_inputs()
    print(jax.jit(kernel)(*tuple(_d.values())))

</pallas_src>

<mosaic_0001>
#map = affine_map<(d0, d1) -> (0)>
module attributes {stable_mosaic.version = 14 : i64} {
  func.func @_body(%arg0: i32, %arg1: i32, %arg2: memref<81920xi32, #tpu.memory_space<hbm>>, %arg3: memref<81920000xf32, #tpu.memory_space<hbm>>, %arg4: memref<2560xi32, #tpu.memory_space<vmem>>, %arg5: memref<64000xf32, #tpu.memory_space<vmem>>) attributes {dimension_semantics = [#tpu.dimension_semantics<core_parallel>, #tpu.dimension_semantics<subcore_parallel>], iteration_bounds = array<i64: 2, 16>, scalar_prefetch = 0 : i64, scratch_operands = 2 : i64, tpu.core_type = #tpu.core_type<sc_vector_subcore>, window_params = [{transform_indices = #map}, {transform_indices = #map}]} {
    %mul3A = arith.constant 2 : i32
    %mul3A_0 = arith.muli %arg1, %mul3A : i32
    %add3A = arith.addi %mul3A_0, %arg0 : i32
    %mul3A_1 = arith.constant 2560 : i32
    %mul3A_2 = arith.muli %add3A, %mul3A_1 : i32
    "tpu.region"() ({
      %run_scoped3A = tpu.sem_alloc : memref<!tpu.dma_semaphore, #tpu.memory_space<semaphore_mem>>
      %dma_start3A = tpu.memref_slice %arg2[%mul3A_2] : memref<81920xi32, #tpu.memory_space<hbm>> -> memref<2560xi32, #tpu.memory_space<hbm>>
      %dma_start3A_17 = tpu.memref_slice %arg2[%mul3A_2] : memref<81920xi32, #tpu.memory_space<hbm>> -> memref<2560xi32, #tpu.memory_space<hbm>>
      tpu.enqueue_dma source(%dma_start3A_17 : memref<2560xi32, #tpu.memory_space<hbm>>) target(%arg4 : memref<2560xi32, #tpu.memory_space<vmem>>) target_semaphore(%run_scoped3A : memref<!tpu.dma_semaphore, #tpu.memory_space<semaphore_mem>>)
      %dma_wait3A = tpu.memref_slice %arg2[%mul3A_2] : memref<81920xi32, #tpu.memory_space<hbm>> -> memref<2560xi32, #tpu.memory_space<hbm>>
      %dma_wait3A_18 = tpu.memref_slice %arg2[%mul3A_2] : memref<81920xi32, #tpu.memory_space<hbm>> -> memref<2560xi32, #tpu.memory_space<hbm>>
      tpu.wait_dma2 semaphore(%run_scoped3A : memref<!tpu.dma_semaphore, #tpu.memory_space<semaphore_mem>>) src(%dma_wait3A_18 : memref<2560xi32, #tpu.memory_space<hbm>>) dst(%arg4 : memref<2560xi32, #tpu.memory_space<vmem>>)
      tpu.yield
    }) : () -> ()
    %broadcast_in_dim3A = arith.constant 0.000000e+00 : f32
    %broadcast_in_dim3A_3 = vector.broadcast %broadcast_in_dim3A : f32 to vector<16xf32>
    %broadcast_in_dim3A_4 = arith.constant 1.000000e+00 : f32
    %broadcast_in_dim3A_5 = vector.broadcast %broadcast_in_dim3A_4 : f32 to vector<16xf32>
    %iota3A = tpu.iota {dimensions = array<i32: 0>} : vector<16xi32>
    %scan3A = arith.constant 0 : i32
    %scan3A_6 = arith.constant 0 : i32
    %scan3A_7 = arith.constant 4000 : i32
    %scan3A_8 = arith.addi %scan3A_6, %scan3A_7 : i32
    %scan3A_9 = arith.constant 1 : i32
    scf.for %scan3A_17 = %scan3A_6 to %scan3A_8 step %scan3A_9  : i32 {
      %mul3A_18 = arith.constant 16 : i32
      %mul3A_19 = arith.muli %scan3A_17, %mul3A_18 : i32
      %swap3A = arith.index_cast %mul3A_19 : i32 to index
      %swap3A_20 = tpu.vector_load %arg5[%swap3A] {strides = array<i32>} : memref<64000xf32, #tpu.memory_space<vmem>>, vector<16xf32>,
      tpu.vector_store %arg5[%swap3A], %broadcast_in_dim3A_3 {strides = array<i32>} : memref<64000xf32, #tpu.memory_space<vmem>>, vector<16xf32>,
    }
    %scan3A_10 = arith.constant 4000 : i32
    %scan3A_11 = arith.constant 0 : i32
    %scan3A_12 = arith.constant 0 : i32
    %scan3A_13 = arith.constant 40 : i32
    %scan3A_14 = arith.addi %scan3A_12, %scan3A_13 : i32
    %scan3A_15 = arith.constant 1 : i32
    scf.for %scan3A_17 = %scan3A_12 to %scan3A_14 step %scan3A_15  : i32 {
      %mul3A_18 = arith.constant 64 : i32
      %mul3A_19 = arith.muli %scan3A_17, %mul3A_18 : i32
      %add3A_20 = arith.constant 0 : i32
      %add3A_21 = arith.addi %mul3A_19, %add3A_20 : i32
      %get3A = arith.index_cast %add3A_21 : i32 to index
      %get3A_22 = tpu.vector_load %arg4[%get3A] {strides = array<i32>} : memref<2560xi32, #tpu.memory_space<vmem>>, vector<16xi32>,
      %add3A_23 = arith.constant 0 : i32
      %add3A_24 = vector.broadcast %add3A_23 : i32 to vector<16xi32>
      %add3A_25 = arith.addi %iota3A, %add3A_24 : vector<16xi32>
      %mul3A_26 = arith.constant 1000 : i32
      %mul3A_27 = vector.broadcast %mul3A_26 : i32 to vector<16xi32>
      %mul3A_28 = arith.muli %add3A_25, %mul3A_27 : vector<16xi32>
      %add3A_29 = arith.addi %mul3A_28, %get3A_22 : vector<16xi32>
      tpu.vector_store_idx %arg5[%add3A_29], %broadcast_in_dim3A_5 : memref<64000xf32, #tpu.memory_space<vmem>>[vector<16xi32>], vector<16xf32>,
      %mul3A_30 = arith.constant 64 : i32
      %mul3A_31 = arith.muli %scan3A_17, %mul3A_30 : i32
      %add3A_32 = arith.constant 16 : i32
      %add3A_33 = arith.addi %mul3A_31, %add3A_32 : i32
      %get3A_34 = arith.index_cast %add3A_33 : i32 to index
      %get3A_35 = tpu.vector_load %arg4[%get3A_34] {strides = array<i32>} : memref<2560xi32, #tpu.memory_space<vmem>>, vector<16xi32>,
      %add3A_36 = arith.constant 16 : i32
      %add3A_37 = vector.broadcast %add3A_36 : i32 to vector<16xi32>
      %add3A_38 = arith.addi %iota3A, %add3A_37 : vector<16xi32>
      %mul3A_39 = arith.constant 1000 : i32
      %mul3A_40 = vector.broadcast %mul3A_39 : i32 to vector<16xi32>
      %mul3A_41 = arith.muli %add3A_38, %mul3A_40 : vector<16xi32>
      %add3A_42 = arith.addi %mul3A_41, %get3A_35 : vector<16xi32>
      tpu.vector_store_idx %arg5[%add3A_42], %broadcast_in_dim3A_5 : memref<64000xf32, #tpu.memory_space<vmem>>[vector<16xi32>], vector<16xf32>,
      %mul3A_43 = arith.constant 64 : i32
      %mul3A_44 = arith.muli %scan3A_17, %mul3A_43 : i32
      %add3A_45 = arith.constant 32 : i32
      %add3A_46 = arith.addi %mul3A_44, %add3A_45 : i32
      %get3A_47 = arith.index_cast %add3A_46 : i32 to index
      %get3A_48 = tpu.vector_load %arg4[%get3A_47] {strides = array<i32>} : memref<2560xi32, #tpu.memory_space<vmem>>, vector<16xi32>,
      %add3A_49 = arith.constant 32 : i32
      %add3A_50 = vector.broadcast %add3A_49 : i32 to vector<16xi32>
      %add3A_51 = arith.addi %iota3A, %add3A_50 : vector<16xi32>
      %mul3A_52 = arith.constant 1000 : i32
      %mul3A_53 = vector.broadcast %mul3A_52 : i32 to vector<16xi32>
      %mul3A_54 = arith.muli %add3A_51, %mul3A_53 : vector<16xi32>
      %add3A_55 = arith.addi %mul3A_54, %get3A_48 : vector<16xi32>
      tpu.vector_store_idx %arg5[%add3A_55], %broadcast_in_dim3A_5 : memref<64000xf32, #tpu.memory_space<vmem>>[vector<16xi32>], vector<16xf32>,
      %mul3A_56 = arith.constant 64 : i32
      %mul3A_57 = arith.muli %scan3A_17, %mul3A_56 : i32
      %add3A_58 = arith.constant 48 : i32
      %add3A_59 = arith.addi %mul3A_57, %add3A_58 : i32
      %get3A_60 = arith.index_cast %add3A_59 : i32 to index
      %get3A_61 = tpu.vector_load %arg4[%get3A_60] {strides = array<i32>} : memref<2560xi32, #tpu.memory_space<vmem>>, vector<16xi32>,
      %add3A_62 = arith.constant 48 : i32
      %add3A_63 = vector.broadcast %add3A_62 : i32 to vector<16xi32>
      %add3A_64 = arith.addi %iota3A, %add3A_63 : vector<16xi32>
      %mul3A_65 = arith.constant 1000 : i32
      %mul3A_66 = vector.broadcast %mul3A_65 : i32 to vector<16xi32>
      %mul3A_67 = arith.muli %add3A_64, %mul3A_66 : vector<16xi32>
      %add3A_68 = arith.addi %mul3A_67, %get3A_61 : vector<16xi32>
      tpu.vector_store_idx %arg5[%add3A_68], %broadcast_in_dim3A_5 : memref<64000xf32, #tpu.memory_space<vmem>>[vector<16xi32>], vector<16xf32>,
      %mul3A_69 = arith.constant 64 : i32
      %mul3A_70 = arith.muli %scan3A_17, %mul3A_69 : i32
      %add3A_71 = arith.addi %mul3A_2, %mul3A_70 : i32
      %mul3A_72 = arith.constant 1000 : i32
      %mul3A_73 = arith.muli %add3A_71, %mul3A_72 : i32
      "tpu.region"() ({
        %run_scoped3A = tpu.sem_alloc : memref<!tpu.dma_semaphore, #tpu.memory_space<semaphore_mem>>
        %dma_start3A = tpu.memref_slice %arg3[%mul3A_73] : memref<81920000xf32, #tpu.memory_space<hbm>> -> memref<64000xf32, #tpu.memory_space<hbm>>
        %dma_start3A_126 = tpu.memref_slice %arg3[%mul3A_73] : memref<81920000xf32, #tpu.memory_space<hbm>> -> memref<64000xf32, #tpu.memory_space<hbm>>
        tpu.enqueue_dma source(%arg5 : memref<64000xf32, #tpu.memory_space<vmem>>) target(%dma_start3A_126 : memref<64000xf32, #tpu.memory_space<hbm>>) target_semaphore(%run_scoped3A : memref<!tpu.dma_semaphore, #tpu.memory_space<semaphore_mem>>)
        %dma_wait3A = tpu.memref_slice %arg3[%mul3A_73] : memref<81920000xf32, #tpu.memory_space<hbm>> -> memref<64000xf32, #tpu.memory_space<hbm>>
        %dma_wait3A_127 = tpu.memref_slice %arg3[%mul3A_73] : memref<81920000xf32, #tpu.memory_space<hbm>> -> memref<64000xf32, #tpu.memory_space<hbm>>
        tpu.wait_dma2 semaphore(%run_scoped3A : memref<!tpu.dma_semaphore, #tpu.memory_space<semaphore_mem>>) src(%arg5 : memref<64000xf32, #tpu.memory_space<vmem>>) dst(%dma_wait3A_127 : memref<64000xf32, #tpu.memory_space<hbm>>)
        tpu.yield
      }) : () -> ()
      %mul3A_74 = arith.constant 64 : i32
      %mul3A_75 = arith.muli %scan3A_17, %mul3A_74 : i32
      %add3A_76 = arith.constant 0 : i32
      %add3A_77 = arith.addi %mul3A_75, %add3A_76 : i32
      %get3A_78 = arith.index_cast %add3A_77 : i32 to index
      %get3A_79 = tpu.vector_load %arg4[%get3A_78] {strides = array<i32>} : memref<2560xi32, #tpu.memory_space<vmem>>, vector<16xi32>,
      %add3A_80 = arith.constant 0 : i32
      %add3A_81 = vector.broadcast %add3A_80 : i32 to vector<16xi32>
      %add3A_82 = arith.addi %iota3A, %add3A_81 : vector<16xi32>
      %mul3A_83 = arith.constant 1000 : i32
      %mul3A_84 = vector.broadcast %mul3A_83 : i32 to vector<16xi32>
      %mul3A_85 = arith.muli %add3A_82, %mul3A_84 : vector<16xi32>
      %add3A_86 = arith.addi %mul3A_85, %get3A_79 : vector<16xi32>
      tpu.vector_store_idx %arg5[%add3A_86], %broadcast_in_dim3A_3 : memref<64000xf32, #tpu.memory_space<vmem>>[vector<16xi32>], vector<16xf32>,
      %mul3A_87 = arith.constant 64 : i32
      %mul3A_88 = arith.muli %scan3A_17, %mul3A_87 : i32
      %add3A_89 = arith.constant 16 : i32
      %add3A_90 = arith.addi %mul3A_88, %add3A_89 : i32
      %get3A_91 = arith.index_cast %add3A_90 : i32 to index
      %get3A_92 = tpu.vector_load %arg4[%get3A_91] {strides = array<i32>} : memref<2560xi32, #tpu.memory_space<vmem>>, vector<16xi32>,
      %add3A_93 = arith.constant 16 : i32
      %add3A_94 = vector.broadcast %add3A_93 : i32 to vector<16xi32>
      %add3A_95 = arith.addi %iota3A, %add3A_94 : vector<16xi32>
      %mul3A_96 = arith.constant 1000 : i32
      %mul3A_97 = vector.broadcast %mul3A_96 : i32 to vector<16xi32>
      %mul3A_98 = arith.muli %add3A_95, %mul3A_97 : vector<16xi32>
      %add3A_99 = arith.addi %mul3A_98, %get3A_92 : vector<16xi32>
      tpu.vector_store_idx %arg5[%add3A_99], %broadcast_in_dim3A_3 : memref<64000xf32, #tpu.memory_space<vmem>>[vector<16xi32>], vector<16xf32>,
      %mul3A_100 = arith.constant 64 : i32
      %mul3A_101 = arith.muli %scan3A_17, %mul3A_100 : i32
      %add3A_102 = arith.constant 32 : i32
      %add3A_103 = arith.addi %mul3A_101, %add3A_102 : i32
      %get3A_104 = arith.index_cast %add3A_103 : i32 to index
      %get3A_105 = tpu.vector_load %arg4[%get3A_104] {strides = array<i32>} : memref<2560xi32, #tpu.memory_space<vmem>>, vector<16xi32>,
      %add3A_106 = arith.constant 32 : i32
      %add3A_107 = vector.broadcast %add3A_106 : i32 to vector<16xi32>
      %add3A_108 = arith.addi %iota3A, %add3A_107 : vector<16xi32>
      %mul3A_109 = arith.constant 1000 : i32
      %mul3A_110 = vector.broadcast %mul3A_109 : i32 to vector<16xi32>
      %mul3A_111 = arith.muli %add3A_108, %mul3A_110 : vector<16xi32>
      %add3A_112 = arith.addi %mul3A_111, %get3A_105 : vector<16xi32>
      tpu.vector_store_idx %arg5[%add3A_112], %broadcast_in_dim3A_3 : memref<64000xf32, #tpu.memory_space<vmem>>[vector<16xi32>], vector<16xf32>,
      %mul3A_113 = arith.constant 64 : i32
      %mul3A_114 = arith.muli %scan3A_17, %mul3A_113 : i32
      %add3A_115 = arith.constant 48 : i32
      %add3A_116 = arith.addi %mul3A_114, %add3A_115 : i32
      %get3A_117 = arith.index_cast %add3A_116 : i32 to index
      %get3A_118 = tpu.vector_load %arg4[%get3A_117] {strides = array<i32>} : memref<2560xi32, #tpu.memory_space<vmem>>, vector<16xi32>,
      %add3A_119 = arith.constant 48 : i32
      %add3A_120 = vector.broadcast %add3A_119 : i32 to vector<16xi32>
      %add3A_121 = arith.addi %iota3A, %add3A_120 : vector<16xi32>
      %mul3A_122 = arith.constant 1000 : i32
      %mul3A_123 = vector.broadcast %mul3A_122 : i32 to vector<16xi32>
      %mul3A_124 = arith.muli %add3A_121, %mul3A_123 : vector<16xi32>
      %add3A_125 = arith.addi %mul3A_124, %get3A_118 : vector<16xi32>
      tpu.vector_store_idx %arg5[%add3A_125], %broadcast_in_dim3A_3 : memref<64000xf32, #tpu.memory_space<vmem>>[vector<16xi32>], vector<16xf32>,
    }
    %scan3A_16 = arith.constant 40 : i32
    return
  }
}

</mosaic_0001>

<sc_bundles>
// kernel: _onehot.3.cloned.1.call-start
scs
__scs_entry_jumppad:
0x0: {  	(pc) =	sbr.rel $0x88, $3  }
0x1: {  	(tag) =	ssettag $0x0;
	lr =	simm.s32 $0x1  }
0x2: {  	[smem:$0x3FA0] =	sst lr;
	_ =	strace $0xD0000000  }
0x3: {  	_ = 	snop  }
0x4: {  	_ = 	snop  }
0x5: {  	_ = 	snop  }
0x6: {  	_ = 	snop  }
0x7: {  	_ = 	snop  }
__scs_overlays_trampoline_lowered:
0x8: {  	[smem:$0x3FAF] =	sst s0  }
0x9: {  	[smem:$0x3FB0] =	sst s1  }
0xa: {  	[smem:$0x3FB1] =	sst s2  }
0xb: {  	[smem:$0x3FB2] =	sst s3  }
0xc: {  	[smem:$0x3FB3] =	sst s4  }
0xd: {  	[smem:$0x3FB4] =	sst s5  }
0xe: {  	[smem:$0x3FB5] =	sst s6  }
0xf: {  	[smem:$0x3FB6] =	sst s7  }
0x10: {  	[smem:$0x3FB7] =	sst s8  }
0x11: {  	[smem:$0x3FB8] =	sst s9;
	s0 =	simm.s32 @!p0 $0x0  }
0x12: {  	s1 =	sld [smem:$0x3F9E];
	s0 =	simm.s32 @p0 $0x1  }
0x13: {  	[smem:$0x3FB9] =	sst s0;
	s0 =	simm.s32 @!p1 $0x0  }
0x14: {  	s2 =	sld [smem:$0x3F9D];
	s0 =	simm.s32 @p1 $0x1  }
0x15: {  	[smem:$0x3FBA] =	sst s0;
	s0 =	simm.s32 @!p2 $0x0  }
0x16: {  	s3 =	sld [smem:$0x3FDB];
	s0 =	simm.s32 @p2 $0x1  }
0x17: {  	s4 =	simm.s32 $0x1BF5;
	[smem:$0x3FBC] =	sst s0  }
0x18: {  	s0 =	sld [smem:$0x3F9F];
	_ =	swait.ge [sflag:s4], $0x0  }
0x19: {  	s7 =	sld [smem:$0x3FA0]  }
0x1a: {  	s8 =	sadd.s32 $0xFFFFE003, lr  }
0x1b: {  	s9 =	sadd.s32 $0xFFFFFEF7, lr;
	s5 =	simm.s32 $0xFFFFFFFF;
	p2 =	slt.u32 s8, $0xFFFFF086  }
0x1c: {  	p1 =	slt.u32 s9, $0xF7A;
	s5 =	simm.s32 @!p2 $0x0  }
0x1d: {  	s5 =	simm.s32 @p1 $0x1;
	p0 =	seq.s32 s7, s2  }
0x1e: {  	s7 =	smul.u32 @!p0 $0xF7A, s2;
	p2 =	seq.s32 @!p0 s5, $0x0  }
0x1f: {  	s9 =	smul.u32 $0xF7A, s1;
	s8 =	simm.s32 @!p0 $0x1BF5;
	p2 =	por !p2, p0  }
0x20: {  	[sflag:s8] =	ssyncset.s32 @!p0 $0xFFFFF086;
	s6 =	sadd.s32 @!p0 s3, s7;
	s7 =	simm.s32 @!p0 $0x108  }
0x21: {  	s3 =	sadd.s32 s3, s9;
	s6 =	sadd.s32 @!p0 $0x88, s6;
	s7 =	simm.s32 @p2 $0x1082  }
0x22: {  	[simem:s7], [sflag:s8] =	dma.local @!p0 [hbm:s6], $0xF7A  }
0x23: {  	s9 =	sor.u32 $0xD0000000, s2;
	s6 =	simm.s32 $0x108;
	_ =	swait.ge @!p0 [sflag:s8], $0x0  }
0x24: {  	s3 =	sadd.s32 $0x88, s3;
	s6 =	simm.s32 @!p1 $0x1082;
	[sflag:s4] =	ssyncset.s32 $0xFFFFF086  }
0x25: {  	[simem:s6], [sflag:s4] =	dma.local [hbm:s3], $0xF7A  }
0x26: {  	[smem:$0x3FA0] =	sst s1;
	(tag) =	ssettag s2;
	_ =	strace s9  }
0x27: {  	s1 =	sld [smem:$0x3FB0]  }
0x28: {  	s2 =	sld [smem:$0x3FB1]  }
0x29: {  	s4 =	sld [smem:$0x3FB3]  }
0x2a: {  	p0 =	seq.s32 s5, $0x0;
	s5 =	sld [smem:$0x3FB4]  }
0x2b: {  	s6 =	sld [smem:$0x3FB5]  }
0x2c: {  	s7 =	sld [smem:$0x3FB6]  }
0x2d: {  	s3 =	simm.s32 $0x108;
	s8 =	sld [smem:$0x3FB7]  }
0x2e: {  	s3 =	simm.s32 @!p0 $0x1082;
	s9 =	sld [smem:$0x3FB8]  }
0x2f: {  	lr =	sadd.s32 s0, s3;
	s0 =	sld [smem:$0x3FAF]  }
0x30: {  	s3 =	sld [smem:$0x3FB2]  }
0x31: {  	[smem:$0x3FBB] =	sst s10  }
0x32: {  	s10 =	sld [smem:$0x3FB9];
	_ =	sdelay $0x3  }
0x33: {  	p0 =	seq.s32 s10, $0x1;
	s10 =	sld [smem:$0x3FBB];
	_ =	sdelay $0x3  }
0x34: {  	[smem:$0x3FBB] =	sst s10  }
0x35: {  	s10 =	sld [smem:$0x3FBA];
	_ =	sdelay $0x3  }
0x36: {  	p1 =	seq.s32 s10, $0x1;
	s10 =	sld [smem:$0x3FBB];
	_ =	sdelay $0x3  }
0x37: {  	[smem:$0x3FBB] =	sst s10  }
0x38: {  	s10 =	sld [smem:$0x3FBC]  }
0x39: {  	_ = 	snop;
	(pc) =	sbr.ind lr, $3  }
0x3a: {  	_ = 	snop  }
0x3b: {  	_ = 	snop  }
0x3c: {  	p2 =	seq.s32 s10, $0x1;
	s10 =	sld [smem:$0x3FBB]  }
0x3d: {  	_ =	shalt  }
0x3e: {  	_ =	shalt  }
0x3f: {  	_ =	shalt  }
0x40: {  	_ =	shalt  }
0x41: {  	_ =	shalt  }
0x42: {  	_ =	shalt  }
0x43: {  	_ =	shalt  }
0x44: {  	_ =	shalt  }
0x45: {  	_ =	shalt  }
0x46: {  	_ =	shalt  }
0x47: {  	_ =	shalt  }
0x48: {  	_ =	shalt  }
0x49: {  	_ =	shalt  }
0x4a: {  	_ =	shalt  }
0x4b: {  	_ =	shalt  }
0x4c: {  	_ =	shalt  }
0x4d: {  	_ =	shalt  }
0x4e: {  	_ =	shalt  }
0x4f: {  	_ =	shalt  }
0x50: {  	_ =	shalt  }
0x51: {  	_ =	shalt  }
0x52: {  	_ =	shalt  }
0x53: {  	_ =	shalt  }
0x54: {  	_ =	shalt  }
0x55: {  	_ =	shalt  }
0x56: {  	_ =	shalt  }
0x57: {  	_ =	shalt  }
0x58: {  	_ =	shalt  }
0x59: {  	_ =	shalt  }
0x5a: {  	_ =	shalt  }
0x5b: {  	_ =	shalt  }
0x5c: {  	_ =	shalt  }
0x5d: {  	_ =	shalt  }
0x5e: {  	_ =	shalt  }
0x5f: {  	_ =	shalt  }
0x60: {  	_ =	shalt  }
0x61: {  	_ =	shalt  }
0x62: {  	_ =	shalt  }
0x63: {  	_ =	shalt  }
0x64: {  	_ =	shalt  }
0x65: {  	_ =	shalt  }
0x66: {  	_ =	shalt  }
0x67: {  	_ =	shalt  }
0x68: {  	_ =	shalt  }
0x69: {  	_ =	shalt  }
0x6a: {  	_ =	shalt  }
0x6b: {  	_ =	shalt  }
0x6c: {  	_ =	shalt  }
0x6d: {  	_ =	shalt  }
0x6e: {  	_ =	shalt  }
0x6f: {  	_ =	shalt  }
0x70: {  	_ =	shalt  }
0x71: {  	_ =	shalt  }
0x72: {  	_ =	shalt  }
0x73: {  	_ =	shalt  }
0x74: {  	_ =	shalt  }
0x75: {  	_ =	shalt  }
0x76: {  	_ =	shalt  }
0x77: {  	_ =	shalt  }
0x78: {  	_ =	shalt  }
0x79: {  	_ =	shalt  }
0x7a: {  	_ =	shalt  }
0x7b: {  	_ =	shalt  }
0x7c: {  	_ =	shalt  }
0x7d: {  	_ =	shalt  }
0x7e: {  	_ =	shalt  }
0x7f: {  	_ =	shalt  }
0x80: {  	_ =	shalt  }
0x81: {  	_ =	shalt  }
0x82: {  	_ =	shalt  }
0x83: {  	_ =	shalt  }
0x84: {  	_ =	shalt  }
0x85: {  	_ =	shalt  }
0x86: {  	_ =	shalt  }
0x87: {  	_ =	shalt  }
.Lfunc_end0:
.L_simem_size_0:
called_computation_lowered:
.L_overlay_start_0:
0x88: {  	s2 =	sld [smem:$0x3FD9]  }
0x89: {  	s3 =	sld [smem:$0x3FFE];
	_ =	sdelay $0x1  }
0x8a: {  	s1 =	srdreg.scid  }
0x8b: {  	s0 =	sand.u32 $0x1, s1  }
0x8c: {  	s18 =	sshll.u32 s0, $0xA;
	s2 =	sadd.s32 s3, s2  }
0x8d: {  	s2 =	sadd.s32 s2, s18  }
0x8e: {  	[smem:$0x3FC7] =	sst s2  }
0x8f: {  	_ = 	snop  }
0x90: {  	s2 =	sld [smem:$0x3FC9]  }
0x91: {  	s19 =	sld [smem:$0x3FD0];
	(tm) =	ssettm $0x1  }
0x92: {  	s4 =	sld [smem:$0x3FFB];
	_ =	sdelay $0x3  }
0x93: {  	_ =	strace s4  }
0x94: {  	s4 =	sld [smem:$0x3FFC];
	_ =	sdelay $0x3  }
0x95: {  	_ =	strace s4  }
0x96: {  	s4 =	sld [smem:$0x3FFD];
	_ =	sdelay $0x3  }
0x97: {  	_ =	strace s4  }
0x98: {  	_ =	strace $0x8FFFFFFF  }
0x99: {  	s20 =	sld [smem:$0x3FDB];
	_ =	sdelay $0x1  }
0x9a: {  	s5 =	simm.s32 $_scs_section_size  }
0x9b: {  	s6 =	simm.s32 $_size__tile_overlayer_lowered;
	s7 =	simm.s32 $_tile_overlayer_lowered  }
0x9c: {  	s23 =	simm.s32 $0x1BFF;
	s22 =	sshll.u32 s7, $0x1;
	s4 =	sadd.s32 s5, s20  }
0x9d: {  	s8 =	simm.s32 $0x0;
	s21 =	sshll.u32 s6, $0x1;
	s6 =	sadd.s32 s22, s4  }
0x9e: {  	[timem:s8], [sflag:s23] =	dma.local [hbm:s6], s21  }
0x9f: {  	_ =	swait.ge [sflag:s23], s21  }
0xa0: {  	s5 =	ssub.s32 $0x0, s21;
	[sflag:s23] =	ssyncset.done $0x0  }
0xa1: {  	[sflag:s23] =	ssyncadd.s32 s5;
	_ =	sdelay $0x1  }
0xa2: {  	s24 =	simm.s32 $0x1B8B  }
0xa3: {  	_ =	swait.ge [sflag:s24], $0x1  }
0xa4: {  	[sflag:s24] =	ssyncset.done $0x0  }
0xa5: {  	s25 =	simm.s32 $0x1B8E;
	[sflag:s24] =	ssyncadd.s32 $0xFFFFFFFF  }
0xa6: {  	s26 =	simm.s32 $execute0_lowered;
	[smem:$0x3FD2] =	sst s25  }
0xa7: {  	s5 =	sshll.u32 s26, $0x1;
	_ =	strace $0x80000046;
	[dreg:$0x1] =	wrdreg $0xFFFFFFFF  }
0xa8: {  	s28 =	simm.s32 $_size_execute0_lowered;
	s4 =	sadd.s32 s4, s5;
	[dreg:$0x0] =	wrdreg $0x0  }
0xa9: {  	s5 =	sshll.u32 s28, $0x1;
	[dreg:$0x2] =	wrdreg s4  }
0xaa: {  	[dreg:$0x3] =	wrdreg s5  }
0xab: {  	[dreg:$0x4] =	wrdreg $0xC0  }
0xac: {  	_ =	task [dreg:s8], $0x5FFFF  }
0xad: {  	[dreg:$0x1] =	wrdreg $0xFFFFFFFF  }
0xae: {  	[dreg:$0x0] =	wrdreg $0x60  }
0xaf: {  	[dreg:$0x2] =	wrdreg s2  }
0xb0: {  	[dreg:$0x3] =	wrdreg s19  }
0xb1: {  	[dreg:$0x4] =	wrdreg $0x9  }
0xb2: {  	_ =	task.clear_ibuf [dreg:s8], $0x5FFFF;
	_ =	strace $0x90000046  }
0xb3: {  	s29 =	simm.s32 $0x9;
	_ =	strace $0x80000048  }
0xb4: {  	_ =	swait.ge [sflag:s29], $0x1  }
0xb5: {  	[sflag:s29] =	ssyncadd.s32 $0xFFFFFFFF  }
0xb6: {  	_ =	strace $0x90000048  }
0xb7: {  	_ =	sfence  }
0xb8: {  	s30 =	sld [smem:$0x0];
	_ =	sdelay $0x2  }
0xb9: {  	s31 =	sshll.u32 s1, $0xD;
	s1 =	sshrl.u32 s1, $0x2  }
0xba: {  	s3 =	sand.u32 $0x4000, s31;
	s1 =	sadd.s32 s1, s30  }
0xbb: {  	s0 =	sor.u32 s3, s0;
	s1 =	sshll.u32 s1, $0x11  }
0xbc: {  	s0 =	sor.u32 s1, s0  }
0xbd: {  	s0 =	sadd.s32 $0x8F2B, s0  }
0xbe: {  	[sflag:s0] =	ssyncadd.remote.s32 $0x1  }
0xbf: {  	_ =	sfence.sel $0xFFFF  }
0xc0: {  	[dreg:$0x0] =	wrdreg $0xFFFFFFFF;
	(pc) =	sbr.abs _section_cstart, $3  }
0xc1: {  	[dreg:$0x1] =	wrdreg $0xFFFFFFFF  }
0xc2: {  	_ =	task.clear_ibuf [dreg:s8], $0x2FFFF;
	_ =	strace $0x9FFFFFFF  }
0xc3: {  	(tm) =	ssettm $0x7FFFFFFF  }
tec
execute0_lowered:
.L_overlay_start_1:
0x0: {  	(tag) =	ssettag $0x1  }
0x1: {  	s1 =	srdreg.scid;
	s3 =	rddreg [dreg:$0x0]  }
0x2: {  	s0 =	stileid.u32;
	s5 =	rddreg [dreg:$0x1]  }
0x3: {  	s4 =	sand.u32 $0x1, s1;
	s29 =	sshll.u32 s0, $0x1;
	s9 =	smul.u32 $0x9C400, s0  }
0x4: {  	s2 =	sor.u32 s4, s29;
	s6 =	ssub.s32 $0x2, s4;
	s30 =	smul.u32 $0x4E200, s4  }
0x5: {  	s1 =	rddreg [dreg:$0x2];
	s7 =	smul.u32 $0xA00, s2;
	s8 =	sshrl.u32 s6, $0x1  }
0x6: {  	v0 =	vlaneseq.u32;
	s2 =	simm.s32 $0x0;
	s5 =	sadd.s32 s9, s5;
	s6 =	ssub.s32 s6, s8  }
0x7: {  	v0 =	vmul.u32 $0x3E8, v0;
	[smem:$0x7FF] =	sst s2;
	s5 =	sadd.s32 s30, s5;
	s8 =	simm.s32 $0x0  }
0x8: {  	v1 =	vimm.f32 $0.0e+00;
	v2 =	vimm.f32 $1.000000000e+00;
	_ =	strace $0x80000047;
	s31 =	sshrl.u32 s7, $0x3;
	s4 =	smax.u32 s6, $0x1  }
0x9: {  	v3 =	vadd.s32 $0x3E80, v0;
	v4 =	vadd.s32 $0x7D00, v0;
	v5 =	vadd.s32 $0xBB80, v0;
	s6 =	simm.s32 $0x1;
	s7 =	simm.s32 $0xA00;
	s3 =	sadd.s32 s3, s31  }
.LBB2_1:
0xa: {  	[tilespmem:s2], [sflag:$0x1] =	stream.linear.gather [hbm4b:s3+s2], $0xA00, $0x38;
	[tilespmem:$0x10400] =	vst v63  }
0xb: {  	_ =	swait.ge [sflag:s6], $0xA00  }
0xc: {  	[sflag:s6] =	ssyncset.done $0x0  }
0xd: {  	s9 =	simm.s32 $0x0;
	[sflag:s6] =	ssyncadd.s32 $0xFFFFF600  }
.LBB2_2:
0xe: {  	p0 =	sne.s32 s9, $0x3E7C0  }
.Ltmp0:
0xf: {  	_ = 	snop;
	(pc) =	sbr.rel @p0 .LBB2_2-.Ltmp0, $3  }
0x10: {  	_ =	sdelay $0x1  }
0x11: {  	s10 =	sshra.s32 s9, $0x2  }
0x12: {  	s9 =	sadd.s32 $0x40, s9;
	[tilespmem:s10+$0xA00] =	vst v1  }
0x13: {  	s9 =	simm.s32 $0x0;
	s10 =	simm.s32 $0x20  }
.LBB2_4:
0x14: {  	v6 =	vld [tilespmem:s10+$0xFFFFFFE0];
	_ =	sdelay $0x4  }
0x15: {  	v6 =	vadd.s32 v0, v6;
	_ =	sdelay $0x4  }
0x16: {  	[tilespmem:v6+s7+$0x0] =	vst.idx.msk $0xffff, v2  }
0x17: {  	v6 =	vld [tilespmem:s10+$0xFFFFFFF0];
	_ =	sdelay $0x4  }
0x18: {  	v6 =	vadd.s32 v3, v6;
	_ =	sdelay $0x4  }
0x19: {  	[tilespmem:v6+s7+$0x0] =	vst.idx.msk $0xffff, v2  }
0x1a: {  	v6 =	vld [tilespmem:s10+$0x0];
	_ =	sdelay $0x4  }
0x1b: {  	v6 =	vadd.s32 v4, v6;
	_ =	sdelay $0x4  }
0x1c: {  	[tilespmem:v6+s7+$0x0] =	vst.idx.msk $0xffff, v2  }
0x1d: {  	v6 =	vld [tilespmem:s10+$0x10];
	_ =	sdelay $0x4  }
0x1e: {  	v6 =	vadd.s32 v5, v6;
	_ =	sdelay $0x4  }
0x1f: {  	s11 =	sadd.s32 s9, s5;
	[tilespmem:v6+s7+$0x0] =	vst.idx.msk $0xffff, v2  }
0x20: {  	[hbm4b:s11+s2] =	stream.linear.scatter [tilespmem:s7], [sflag:$0x1], $0xFA00, $0x38;
	[tilespmem:$0x10400] =	vst v63  }
0x21: {  	_ =	swait.ge [sflag:s6], $0xFA00  }
0x22: {  	[sflag:s6] =	ssyncset.done $0x0  }
0x23: {  	[sflag:s6] =	ssyncadd.s32 $0xFFFF0600  }
0x24: {  	v6 =	vld [tilespmem:s10+$0xFFFFFFE0];
	_ =	sdelay $0x4  }
0x25: {  	v6 =	vadd.s32 v0, v6;
	_ =	sdelay $0x4  }
0x26: {  	[tilespmem:v6+s7+$0x0] =	vst.idx.msk $0xffff, v1  }
0x27: {  	v6 =	vld [tilespmem:s10+$0xFFFFFFF0];
	_ =	sdelay $0x4  }
0x28: {  	v6 =	vadd.s32 v3, v6;
	_ =	sdelay $0x4  }
0x29: {  	[tilespmem:v6+s7+$0x0] =	vst.idx.msk $0xffff, v1  }
0x2a: {  	v6 =	vld [tilespmem:s10+$0x0];
	_ =	sdelay $0x4  }
0x2b: {  	v6 =	vadd.s32 v4, v6;
	_ =	sdelay $0x4  }
0x2c: {  	[tilespmem:v6+s7+$0x0] =	vst.idx.msk $0xffff, v1  }
0x2d: {  	v6 =	vld [tilespmem:s10+$0x10];
	_ =	sdelay $0x4  }
0x2e: {  	p0 =	sne.s32 s9, $0x4C2C0;
	v6 =	vadd.s32 v5, v6  }
.Ltmp1:
0x2f: {  	_ = 	snop;
	(pc) =	sbr.rel @p0 .LBB2_4-.Ltmp1, $2  }
0x30: {  	_ =	sdelay $0x2  }
0x31: {  	s9 =	sadd.s32 $0x1F40, s9;
	s10 =	sadd.s32 $0x40, s10;
	[tilespmem:v6+s7+$0x0] =	vst.idx.msk $0xffff, v1  }
0x32: {  	s8 =	sadd.s32 $0x1, s8  }
0x33: {  	p0 =	sne.s32 s8, s4  }
.Ltmp2:
0x34: {  	_ = 	snop;
	(pc) =	sbr.rel @p0 .LBB2_1-.Ltmp2, $1  }
0x35: {  	_ =	sdelay $0x3  }
0x36: {  	_ =	sfence.sel $0x180000  }
0x37: {  	[bflag:$0x0] =	sbarrier.arrive $0xFFFF  }
0x38: {  	p0 =	sne.s32 s0, $0x0;
	_ =	strace $0x90000047  }
0x39: {  	s0 =	sadd.s32 @!p0 $0x100000, s1;
	[bflag:$0x2] =	sbarrier.arrive $0xFFFF  }
0x3a: {  	[sflag:s0] =	ssyncadd.tile.s32 @!p0 $0x1;
	_ =	shalt  }
.Lfunc_end2:
_tile_overlayer_lowered:
.L_overlay_start_2:
0x3b: {  	(tag) =	ssettag $0x2  }
0x3c: {  	s0 =	rddreg [dreg:$0x0];
	s2 =	stileid.u32  }
0x3d: {  	s1 =	rddreg [dreg:$0x1];
	p0 =	sne.s32 s2, $0x0  }
0x3e: {  	s3 =	rddreg [dreg:$0x2];
	[bflag:$0x3] =	sbarrier.arrive $0xFFFF;
	s2 =	simm.s32 @!p0 $0x1C01  }
0x3f: {  	[timem:s3], [sflag:s2] =	dma.local @!p0 [hbm:s0], s1  }
0x40: {  	s0 =	simm.s32 @!p0 $0x1  }
0x41: {  	_ =	swait.ge @!p0 [sflag:s0], s1  }
0x42: {  	s1 =	ssub.s32 @!p0 $0x0, s1;
	[sflag:s0] =	ssyncset.done @!p0 $0x0  }
0x43: {  	[sflag:s0] =	ssyncadd.s32 @!p0 s1  }
0x44: {  	[bflag:$0x3] =	sbarrier.arrive $0xFFFF  }
0x45: {  	_ =	shalt  }

</sc_bundles>
